<compile_context>
chip_gen: v7x
topology: tpu7x:2x2x1
jax: 0.10.2.dev20260603
libtpu: 0.0.44.dev20260713+nightly
codegen_flags: <defaults>
</compile_context>

<pallas_src>
import functools

import jax
import jax.numpy as jnp
from jax import lax
from jax.experimental import pallas as pl
from jax.experimental.pallas import tpu as pltpu
from jax.experimental.pallas import tpu_sc as plsc

_BATCH = 4
_SEQ = 4096
_HIDDEN = 1024
_N = _BATCH * _SEQ
_NC = 2
_NS = 16
_NW = _NC * _NS
_PER_W = _N // _NW
_CHUNK = 32
_NCH = _PER_W // _CHUNK
_NBUF = 3

_mesh = plsc.VectorSubcoreMesh(
    core_axis_name="c", subcore_axis_name="s", num_cores=_NC, num_subcores=_NS
)


@functools.partial(
    pl.kernel,
    out_type=jax.ShapeDtypeStruct((_N, _HIDDEN), jnp.float32),
    mesh=_mesh,
    scratch_types=[
        pltpu.VMEM((_PER_W,), jnp.int32),
        *([pltpu.VMEM((_CHUNK, _HIDDEN), jnp.float32)] * _NBUF),
        *([pltpu.SemaphoreType.DMA] * (2 * _NBUF)),
    ],
)
def _gather_rows(idx_hbm, table_hbm, out_hbm, idx_v, *bufs_and_sems):
    bufs = bufs_and_sems[:_NBUF]
    gsems = bufs_and_sems[_NBUF:2 * _NBUF]
    osems = bufs_and_sems[2 * _NBUF:]
    wid = lax.axis_index("s") * _NC + lax.axis_index("c")
    base = wid * _PER_W
    pltpu.sync_copy(idx_hbm.at[pl.ds(base, _PER_W)], idx_v)

    def start_gather(j):
        return pltpu.async_copy(
            table_hbm.at[idx_v.at[pl.ds(j * _CHUNK, _CHUNK)]],
            bufs[j % _NBUF],
            gsems[j % _NBUF],
        )

    _G = _NBUF
    gathers = [None] * _NBUF
    outs = [None] * _NBUF
    gathers[0] = start_gather(0)
    gathers[0].wait()
    for i in range(_NCH):
        b = i % _NBUF
        if outs[b] is not None:
            outs[b].wait()
        outs[b] = pltpu.async_copy(
            bufs[b], out_hbm.at[pl.ds(base + i * _CHUNK, _CHUNK)], osems[b]
        )
    for o in outs:
        if o is not None:
            o.wait()


def kernel(input_ids, weight):
    flat_ids = input_ids.reshape(_N).astype(jnp.int32)
    out = _gather_rows(flat_ids, weight)
    return out.reshape(_BATCH, _SEQ, _HIDDEN)

# --- scband reference (transcript-rebuilt; emitter-appended) ---
"""Pipeline reference for scband-embedding-17927193493776 (READ-ONLY COPY).

The authoritative reference and input builder live on the scoring server;
editing this copy changes nothing except your own understanding.
"""

import jax, jax.numpy as jnp
import numpy as np

VOCAB = 100000
HIDDEN = 1024
BATCH = 4
SEQ = 4096

def setup_inputs(seed: int = 0) -> dict:
    key = jax.random.key(seed)
    k_idx, k_w = jax.random.split(key)
    input_ids = jax.random.randint(k_idx, (BATCH, SEQ), 0, VOCAB, dtype=jnp.int64 if jax.config.jax_enable_x64 else jnp.int32)
    weight = jax.random.normal(k_w, (VOCAB, HIDDEN), dtype=jnp.float32) * 0.02
    return {"input_ids": input_ids, "weight": weight}

def reference(input_ids, weight):
    # F.embedding(input_ids, weight) -> gather rows of the table
    return jnp.take(weight, input_ids, axis=0)

if __name__ == "__main__":
    import jax
    _d = setup_inputs()
    print(jax.jit(kernel)(*tuple(_d.values())))

</pallas_src>

<mosaic_0001>
#map = affine_map<(d0, d1) -> (0)>
#map1 = affine_map<(d0, d1) -> (0, 0)>
module attributes {stable_mosaic.version = 14 : i64} {
  func.func @_gather_rows(%arg0: i32, %arg1: i32, %arg2: memref<16384xi32, #tpu.memory_space<hbm>>, %arg3: memref<100000x1024xf32, #tpu.memory_space<hbm>>, %arg4: memref<16384x1024xf32, #tpu.memory_space<hbm>>, %arg5: memref<512xi32, #tpu.memory_space<vmem>>, %arg6: memref<32x1024xf32, #tpu.memory_space<vmem>>, %arg7: memref<32x1024xf32, #tpu.memory_space<vmem>>, %arg8: memref<32x1024xf32, #tpu.memory_space<vmem>>, %arg9: memref<!tpu.dma_semaphore, #tpu.memory_space<semaphore_mem>>, %arg10: memref<!tpu.dma_semaphore, #tpu.memory_space<semaphore_mem>>, %arg11: memref<!tpu.dma_semaphore, #tpu.memory_space<semaphore_mem>>, %arg12: memref<!tpu.dma_semaphore, #tpu.memory_space<semaphore_mem>>, %arg13: memref<!tpu.dma_semaphore, #tpu.memory_space<semaphore_mem>>, %arg14: memref<!tpu.dma_semaphore, #tpu.memory_space<semaphore_mem>>) attributes {dimension_semantics = [#tpu.dimension_semantics<core_parallel>, #tpu.dimension_semantics<subcore_parallel>], iteration_bounds = array<i64: 2, 16>, scalar_prefetch = 0 : i64, scratch_operands = 10 : i64, tpu.core_type = #tpu.core_type<sc_vector_subcore>, window_params = [{transform_indices = #map}, {transform_indices = #map1}, {transform_indices = #map1}]} {
    %mul3A = arith.constant 2 : i32
    %mul3A_0 = arith.muli %arg1, %mul3A : i32
    %add3A = arith.addi %mul3A_0, %arg0 : i32
    %mul3A_1 = arith.constant 512 : i32
    %mul3A_2 = arith.muli %add3A, %mul3A_1 : i32
    "tpu.region"() ({
      %run_scoped3A = tpu.sem_alloc : memref<!tpu.dma_semaphore, #tpu.memory_space<semaphore_mem>>
      %dma_start3A_171 = tpu.memref_slice %arg2[%mul3A_2] : memref<16384xi32, #tpu.memory_space<hbm>> -> memref<512xi32, #tpu.memory_space<hbm>>
      %dma_start3A_172 = tpu.memref_slice %arg2[%mul3A_2] : memref<16384xi32, #tpu.memory_space<hbm>> -> memref<512xi32, #tpu.memory_space<hbm>>
      tpu.enqueue_dma source(%dma_start3A_172 : memref<512xi32, #tpu.memory_space<hbm>>) target(%arg5 : memref<512xi32, #tpu.memory_space<vmem>>) target_semaphore(%run_scoped3A : memref<!tpu.dma_semaphore, #tpu.memory_space<semaphore_mem>>)
      %dma_wait3A_173 = tpu.memref_slice %arg2[%mul3A_2] : memref<16384xi32, #tpu.memory_space<hbm>> -> memref<512xi32, #tpu.memory_space<hbm>>
      %dma_wait3A_174 = tpu.memref_slice %arg2[%mul3A_2] : memref<16384xi32, #tpu.memory_space<hbm>> -> memref<512xi32, #tpu.memory_space<hbm>>
      tpu.wait_dma2 semaphore(%run_scoped3A : memref<!tpu.dma_semaphore, #tpu.memory_space<semaphore_mem>>) src(%dma_wait3A_174 : memref<512xi32, #tpu.memory_space<hbm>>) dst(%arg5 : memref<512xi32, #tpu.memory_space<vmem>>)
      tpu.yield
    }) : () -> ()
    %dma_start3A = arith.constant 0 : i32
    %dma_start3A_3 = tpu.memref_slice %arg5[%dma_start3A] : memref<512xi32, #tpu.memory_space<vmem>> -> memref<32xi32, #tpu.memory_space<vmem>>
    %dma_start3A_4 = arith.constant 0 : i32
    %dma_start3A_5 = arith.constant 0 : i32
    %dma_start3A_6 = tpu.memref_slice %arg3[%dma_start3A_4, %dma_start3A_5] : memref<100000x1024xf32, #tpu.memory_space<hbm>> -> memref<100000x1024xf32, #tpu.memory_space<hbm>>
    tpu.enqueue_indirect_dma source(%dma_start3A_6 : memref<100000x1024xf32, #tpu.memory_space<hbm>>) target(%arg6 : memref<32x1024xf32, #tpu.memory_space<vmem>>) offsets(%dma_start3A_3 : memref<32xi32, #tpu.memory_space<vmem>>) semaphore(%arg9 : memref<!tpu.dma_semaphore, #tpu.memory_space<semaphore_mem>>)
    %dma_wait3A = arith.constant 0 : i32
    %dma_wait3A_7 = tpu.memref_slice %arg5[%dma_wait3A] : memref<512xi32, #tpu.memory_space<vmem>> -> memref<32xi32, #tpu.memory_space<vmem>>
    %dma_wait3A_8 = arith.constant 0 : i32
    %dma_wait3A_9 = arith.constant 0 : i32
    %dma_wait3A_10 = tpu.memref_slice %arg3[%dma_wait3A_8, %dma_wait3A_9] : memref<100000x1024xf32, #tpu.memory_space<hbm>> -> memref<100000x1024xf32, #tpu.memory_space<hbm>>
    tpu.wait_indirect_dma semaphore(%arg9 : memref<!tpu.dma_semaphore, #tpu.memory_space<semaphore_mem>>) src(%dma_wait3A_10 : memref<100000x1024xf32, #tpu.memory_space<hbm>>) dst(%arg6 : memref<32x1024xf32, #tpu.memory_space<vmem>>)
    %add3A_11 = arith.constant 0 : i32
    %add3A_12 = arith.addi %mul3A_2, %add3A_11 : i32
    %dma_start3A_13 = arith.constant 0 : i32
    %dma_start3A_14 = tpu.memref_slice %arg4[%add3A_12, %dma_start3A_13] : memref<16384x1024xf32, #tpu.memory_space<hbm>> -> memref<32x1024xf32, #tpu.memory_space<hbm>>
    %dma_start3A_15 = arith.constant 0 : i32
    %dma_start3A_16 = tpu.memref_slice %arg4[%add3A_12, %dma_start3A_15] : memref<16384x1024xf32, #tpu.memory_space<hbm>> -> memref<32x1024xf32, #tpu.memory_space<hbm>>
    tpu.enqueue_dma source(%arg6 : memref<32x1024xf32, #tpu.memory_space<vmem>>) target(%dma_start3A_16 : memref<32x1024xf32, #tpu.memory_space<hbm>>) target_semaphore(%arg12 : memref<!tpu.dma_semaphore, #tpu.memory_space<semaphore_mem>>)
    %add3A_17 = arith.constant 32 : i32
    %add3A_18 = arith.addi %mul3A_2, %add3A_17 : i32
    %dma_start3A_19 = arith.constant 0 : i32
    %dma_start3A_20 = tpu.memref_slice %arg4[%add3A_18, %dma_start3A_19] : memref<16384x1024xf32, #tpu.memory_space<hbm>> -> memref<32x1024xf32, #tpu.memory_space<hbm>>
    %dma_start3A_21 = arith.constant 0 : i32
    %dma_start3A_22 = tpu.memref_slice %arg4[%add3A_18, %dma_start3A_21] : memref<16384x1024xf32, #tpu.memory_space<hbm>> -> memref<32x1024xf32, #tpu.memory_space<hbm>>
    tpu.enqueue_dma source(%arg7 : memref<32x1024xf32, #tpu.memory_space<vmem>>) target(%dma_start3A_22 : memref<32x1024xf32, #tpu.memory_space<hbm>>) target_semaphore(%arg13 : memref<!tpu.dma_semaphore, #tpu.memory_space<semaphore_mem>>)
    %add3A_23 = arith.constant 64 : i32
    %add3A_24 = arith.addi %mul3A_2, %add3A_23 : i32
    %dma_start3A_25 = arith.constant 0 : i32
    %dma_start3A_26 = tpu.memref_slice %arg4[%add3A_24, %dma_start3A_25] : memref<16384x1024xf32, #tpu.memory_space<hbm>> -> memref<32x1024xf32, #tpu.memory_space<hbm>>
    %dma_start3A_27 = arith.constant 0 : i32
    %dma_start3A_28 = tpu.memref_slice %arg4[%add3A_24, %dma_start3A_27] : memref<16384x1024xf32, #tpu.memory_space<hbm>> -> memref<32x1024xf32, #tpu.memory_space<hbm>>
    tpu.enqueue_dma source(%arg8 : memref<32x1024xf32, #tpu.memory_space<vmem>>) target(%dma_start3A_28 : memref<32x1024xf32, #tpu.memory_space<hbm>>) target_semaphore(%arg14 : memref<!tpu.dma_semaphore, #tpu.memory_space<semaphore_mem>>)
    %dma_wait3A_29 = arith.constant 0 : i32
    %dma_wait3A_30 = tpu.memref_slice %arg4[%add3A_12, %dma_wait3A_29] : memref<16384x1024xf32, #tpu.memory_space<hbm>> -> memref<32x1024xf32, #tpu.memory_space<hbm>>
    %dma_wait3A_31 = arith.constant 0 : i32
    %dma_wait3A_32 = tpu.memref_slice %arg4[%add3A_12, %dma_wait3A_31] : memref<16384x1024xf32, #tpu.memory_space<hbm>> -> memref<32x1024xf32, #tpu.memory_space<hbm>>
    tpu.wait_dma2 semaphore(%arg12 : memref<!tpu.dma_semaphore, #tpu.memory_space<semaphore_mem>>) src(%arg6 : memref<32x1024xf32, #tpu.memory_space<vmem>>) dst(%dma_wait3A_32 : memref<32x1024xf32, #tpu.memory_space<hbm>>)
    %add3A_33 = arith.constant 96 : i32
    %add3A_34 = arith.addi %mul3A_2, %add3A_33 : i32
    %dma_start3A_35 = arith.constant 0 : i32
    %dma_start3A_36 = tpu.memref_slice %arg4[%add3A_34, %dma_start3A_35] : memref<16384x1024xf32, #tpu.memory_space<hbm>> -> memref<32x1024xf32, #tpu.memory_space<hbm>>
    %dma_start3A_37 = arith.constant 0 : i32
    %dma_start3A_38 = tpu.memref_slice %arg4[%add3A_34, %dma_start3A_37] : memref<16384x1024xf32, #tpu.memory_space<hbm>> -> memref<32x1024xf32, #tpu.memory_space<hbm>>
    tpu.enqueue_dma source(%arg6 : memref<32x1024xf32, #tpu.memory_space<vmem>>) target(%dma_start3A_38 : memref<32x1024xf32, #tpu.memory_space<hbm>>) target_semaphore(%arg12 : memref<!tpu.dma_semaphore, #tpu.memory_space<semaphore_mem>>)
    %dma_wait3A_39 = arith.constant 0 : i32
    %dma_wait3A_40 = tpu.memref_slice %arg4[%add3A_18, %dma_wait3A_39] : memref<16384x1024xf32, #tpu.memory_space<hbm>> -> memref<32x1024xf32, #tpu.memory_space<hbm>>
    %dma_wait3A_41 = arith.constant 0 : i32
    %dma_wait3A_42 = tpu.memref_slice %arg4[%add3A_18, %dma_wait3A_41] : memref<16384x1024xf32, #tpu.memory_space<hbm>> -> memref<32x1024xf32, #tpu.memory_space<hbm>>
    tpu.wait_dma2 semaphore(%arg13 : memref<!tpu.dma_semaphore, #tpu.memory_space<semaphore_mem>>) src(%arg7 : memref<32x1024xf32, #tpu.memory_space<vmem>>) dst(%dma_wait3A_42 : memref<32x1024xf32, #tpu.memory_space<hbm>>)
    %add3A_43 = arith.constant 128 : i32
    %add3A_44 = arith.addi %mul3A_2, %add3A_43 : i32
    %dma_start3A_45 = arith.constant 0 : i32
    %dma_start3A_46 = tpu.memref_slice %arg4[%add3A_44, %dma_start3A_45] : memref<16384x1024xf32, #tpu.memory_space<hbm>> -> memref<32x1024xf32, #tpu.memory_space<hbm>>
    %dma_start3A_47 = arith.constant 0 : i32
    %dma_start3A_48 = tpu.memref_slice %arg4[%add3A_44, %dma_start3A_47] : memref<16384x1024xf32, #tpu.memory_space<hbm>> -> memref<32x1024xf32, #tpu.memory_space<hbm>>
    tpu.enqueue_dma source(%arg7 : memref<32x1024xf32, #tpu.memory_space<vmem>>) target(%dma_start3A_48 : memref<32x1024xf32, #tpu.memory_space<hbm>>) target_semaphore(%arg13 : memref<!tpu.dma_semaphore, #tpu.memory_space<semaphore_mem>>)
    %dma_wait3A_49 = arith.constant 0 : i32
    %dma_wait3A_50 = tpu.memref_slice %arg4[%add3A_24, %dma_wait3A_49] : memref<16384x1024xf32, #tpu.memory_space<hbm>> -> memref<32x1024xf32, #tpu.memory_space<hbm>>
    %dma_wait3A_51 = arith.constant 0 : i32
    %dma_wait3A_52 = tpu.memref_slice %arg4[%add3A_24, %dma_wait3A_51] : memref<16384x1024xf32, #tpu.memory_space<hbm>> -> memref<32x1024xf32, #tpu.memory_space<hbm>>
    tpu.wait_dma2 semaphore(%arg14 : memref<!tpu.dma_semaphore, #tpu.memory_space<semaphore_mem>>) src(%arg8 : memref<32x1024xf32, #tpu.memory_space<vmem>>) dst(%dma_wait3A_52 : memref<32x1024xf32, #tpu.memory_space<hbm>>)
    %add3A_53 = arith.constant 160 : i32
    %add3A_54 = arith.addi %mul3A_2, %add3A_53 : i32
    %dma_start3A_55 = arith.constant 0 : i32
    %dma_start3A_56 = tpu.memref_slice %arg4[%add3A_54, %dma_start3A_55] : memref<16384x1024xf32, #tpu.memory_space<hbm>> -> memref<32x1024xf32, #tpu.memory_space<hbm>>
    %dma_start3A_57 = arith.constant 0 : i32
    %dma_start3A_58 = tpu.memref_slice %arg4[%add3A_54, %dma_start3A_57] : memref<16384x1024xf32, #tpu.memory_space<hbm>> -> memref<32x1024xf32, #tpu.memory_space<hbm>>
    tpu.enqueue_dma source(%arg8 : memref<32x1024xf32, #tpu.memory_space<vmem>>) target(%dma_start3A_58 : memref<32x1024xf32, #tpu.memory_space<hbm>>) target_semaphore(%arg14 : memref<!tpu.dma_semaphore, #tpu.memory_space<semaphore_mem>>)
    %dma_wait3A_59 = arith.constant 0 : i32
    %dma_wait3A_60 = tpu.memref_slice %arg4[%add3A_34, %dma_wait3A_59] : memref<16384x1024xf32, #tpu.memory_space<hbm>> -> memref<32x1024xf32, #tpu.memory_space<hbm>>
    %dma_wait3A_61 = arith.constant 0 : i32
    %dma_wait3A_62 = tpu.memref_slice %arg4[%add3A_34, %dma_wait3A_61] : memref<16384x1024xf32, #tpu.memory_space<hbm>> -> memref<32x1024xf32, #tpu.memory_space<hbm>>
    tpu.wait_dma2 semaphore(%arg12 : memref<!tpu.dma_semaphore, #tpu.memory_space<semaphore_mem>>) src(%arg6 : memref<32x1024xf32, #tpu.memory_space<vmem>>) dst(%dma_wait3A_62 : memref<32x1024xf32, #tpu.memory_space<hbm>>)
    %add3A_63 = arith.constant 192 : i32
    %add3A_64 = arith.addi %mul3A_2, %add3A_63 : i32
    %dma_start3A_65 = arith.constant 0 : i32
    %dma_start3A_66 = tpu.memref_slice %arg4[%add3A_64, %dma_start3A_65] : memref<16384x1024xf32, #tpu.memory_space<hbm>> -> memref<32x1024xf32, #tpu.memory_space<hbm>>
    %dma_start3A_67 = arith.constant 0 : i32
    %dma_start3A_68 = tpu.memref_slice %arg4[%add3A_64, %dma_start3A_67] : memref<16384x1024xf32, #tpu.memory_space<hbm>> -> memref<32x1024xf32, #tpu.memory_space<hbm>>
    tpu.enqueue_dma source(%arg6 : memref<32x1024xf32, #tpu.memory_space<vmem>>) target(%dma_start3A_68 : memref<32x1024xf32, #tpu.memory_space<hbm>>) target_semaphore(%arg12 : memref<!tpu.dma_semaphore, #tpu.memory_space<semaphore_mem>>)
    %dma_wait3A_69 = arith.constant 0 : i32
    %dma_wait3A_70 = tpu.memref_slice %arg4[%add3A_44, %dma_wait3A_69] : memref<16384x1024xf32, #tpu.memory_space<hbm>> -> memref<32x1024xf32, #tpu.memory_space<hbm>>
    %dma_wait3A_71 = arith.constant 0 : i32
    %dma_wait3A_72 = tpu.memref_slice %arg4[%add3A_44, %dma_wait3A_71] : memref<16384x1024xf32, #tpu.memory_space<hbm>> -> memref<32x1024xf32, #tpu.memory_space<hbm>>
    tpu.wait_dma2 semaphore(%arg13 : memref<!tpu.dma_semaphore, #tpu.memory_space<semaphore_mem>>) src(%arg7 : memref<32x1024xf32, #tpu.memory_space<vmem>>) dst(%dma_wait3A_72 : memref<32x1024xf32, #tpu.memory_space<hbm>>)
    %add3A_73 = arith.constant 224 : i32
    %add3A_74 = arith.addi %mul3A_2, %add3A_73 : i32
    %dma_start3A_75 = arith.constant 0 : i32
    %dma_start3A_76 = tpu.memref_slice %arg4[%add3A_74, %dma_start3A_75] : memref<16384x1024xf32, #tpu.memory_space<hbm>> -> memref<32x1024xf32, #tpu.memory_space<hbm>>
    %dma_start3A_77 = arith.constant 0 : i32
    %dma_start3A_78 = tpu.memref_slice %arg4[%add3A_74, %dma_start3A_77] : memref<16384x1024xf32, #tpu.memory_space<hbm>> -> memref<32x1024xf32, #tpu.memory_space<hbm>>
    tpu.enqueue_dma source(%arg7 : memref<32x1024xf32, #tpu.memory_space<vmem>>) target(%dma_start3A_78 : memref<32x1024xf32, #tpu.memory_space<hbm>>) target_semaphore(%arg13 : memref<!tpu.dma_semaphore, #tpu.memory_space<semaphore_mem>>)
    %dma_wait3A_79 = arith.constant 0 : i32
    %dma_wait3A_80 = tpu.memref_slice %arg4[%add3A_54, %dma_wait3A_79] : memref<16384x1024xf32, #tpu.memory_space<hbm>> -> memref<32x1024xf32, #tpu.memory_space<hbm>>
    %dma_wait3A_81 = arith.constant 0 : i32
    %dma_wait3A_82 = tpu.memref_slice %arg4[%add3A_54, %dma_wait3A_81] : memref<16384x1024xf32, #tpu.memory_space<hbm>> -> memref<32x1024xf32, #tpu.memory_space<hbm>>
    tpu.wait_dma2 semaphore(%arg14 : memref<!tpu.dma_semaphore, #tpu.memory_space<semaphore_mem>>) src(%arg8 : memref<32x1024xf32, #tpu.memory_space<vmem>>) dst(%dma_wait3A_82 : memref<32x1024xf32, #tpu.memory_space<hbm>>)
    %add3A_83 = arith.constant 256 : i32
    %add3A_84 = arith.addi %mul3A_2, %add3A_83 : i32
    %dma_start3A_85 = arith.constant 0 : i32
    %dma_start3A_86 = tpu.memref_slice %arg4[%add3A_84, %dma_start3A_85] : memref<16384x1024xf32, #tpu.memory_space<hbm>> -> memref<32x1024xf32, #tpu.memory_space<hbm>>
    %dma_start3A_87 = arith.constant 0 : i32
    %dma_start3A_88 = tpu.memref_slice %arg4[%add3A_84, %dma_start3A_87] : memref<16384x1024xf32, #tpu.memory_space<hbm>> -> memref<32x1024xf32, #tpu.memory_space<hbm>>
    tpu.enqueue_dma source(%arg8 : memref<32x1024xf32, #tpu.memory_space<vmem>>) target(%dma_start3A_88 : memref<32x1024xf32, #tpu.memory_space<hbm>>) target_semaphore(%arg14 : memref<!tpu.dma_semaphore, #tpu.memory_space<semaphore_mem>>)
    %dma_wait3A_89 = arith.constant 0 : i32
    %dma_wait3A_90 = tpu.memref_slice %arg4[%add3A_64, %dma_wait3A_89] : memref<16384x1024xf32, #tpu.memory_space<hbm>> -> memref<32x1024xf32, #tpu.memory_space<hbm>>
    %dma_wait3A_91 = arith.constant 0 : i32
    %dma_wait3A_92 = tpu.memref_slice %arg4[%add3A_64, %dma_wait3A_91] : memref<16384x1024xf32, #tpu.memory_space<hbm>> -> memref<32x1024xf32, #tpu.memory_space<hbm>>
    tpu.wait_dma2 semaphore(%arg12 : memref<!tpu.dma_semaphore, #tpu.memory_space<semaphore_mem>>) src(%arg6 : memref<32x1024xf32, #tpu.memory_space<vmem>>) dst(%dma_wait3A_92 : memref<32x1024xf32, #tpu.memory_space<hbm>>)
    %add3A_93 = arith.constant 288 : i32
    %add3A_94 = arith.addi %mul3A_2, %add3A_93 : i32
    %dma_start3A_95 = arith.constant 0 : i32
    %dma_start3A_96 = tpu.memref_slice %arg4[%add3A_94, %dma_start3A_95] : memref<16384x1024xf32, #tpu.memory_space<hbm>> -> memref<32x1024xf32, #tpu.memory_space<hbm>>
    %dma_start3A_97 = arith.constant 0 : i32
    %dma_start3A_98 = tpu.memref_slice %arg4[%add3A_94, %dma_start3A_97] : memref<16384x1024xf32, #tpu.memory_space<hbm>> -> memref<32x1024xf32, #tpu.memory_space<hbm>>
    tpu.enqueue_dma source(%arg6 : memref<32x1024xf32, #tpu.memory_space<vmem>>) target(%dma_start3A_98 : memref<32x1024xf32, #tpu.memory_space<hbm>>) target_semaphore(%arg12 : memref<!tpu.dma_semaphore, #tpu.memory_space<semaphore_mem>>)
    %dma_wait3A_99 = arith.constant 0 : i32
    %dma_wait3A_100 = tpu.memref_slice %arg4[%add3A_74, %dma_wait3A_99] : memref<16384x1024xf32, #tpu.memory_space<hbm>> -> memref<32x1024xf32, #tpu.memory_space<hbm>>
    %dma_wait3A_101 = arith.constant 0 : i32
    %dma_wait3A_102 = tpu.memref_slice %arg4[%add3A_74, %dma_wait3A_101] : memref<16384x1024xf32, #tpu.memory_space<hbm>> -> memref<32x1024xf32, #tpu.memory_space<hbm>>
    tpu.wait_dma2 semaphore(%arg13 : memref<!tpu.dma_semaphore, #tpu.memory_space<semaphore_mem>>) src(%arg7 : memref<32x1024xf32, #tpu.memory_space<vmem>>) dst(%dma_wait3A_102 : memref<32x1024xf32, #tpu.memory_space<hbm>>)
    %add3A_103 = arith.constant 320 : i32
    %add3A_104 = arith.addi %mul3A_2, %add3A_103 : i32
    %dma_start3A_105 = arith.constant 0 : i32
    %dma_start3A_106 = tpu.memref_slice %arg4[%add3A_104, %dma_start3A_105] : memref<16384x1024xf32, #tpu.memory_space<hbm>> -> memref<32x1024xf32, #tpu.memory_space<hbm>>
    %dma_start3A_107 = arith.constant 0 : i32
    %dma_start3A_108 = tpu.memref_slice %arg4[%add3A_104, %dma_start3A_107] : memref<16384x1024xf32, #tpu.memory_space<hbm>> -> memref<32x1024xf32, #tpu.memory_space<hbm>>
    tpu.enqueue_dma source(%arg7 : memref<32x1024xf32, #tpu.memory_space<vmem>>) target(%dma_start3A_108 : memref<32x1024xf32, #tpu.memory_space<hbm>>) target_semaphore(%arg13 : memref<!tpu.dma_semaphore, #tpu.memory_space<semaphore_mem>>)
    %dma_wait3A_109 = arith.constant 0 : i32
    %dma_wait3A_110 = tpu.memref_slice %arg4[%add3A_84, %dma_wait3A_109] : memref<16384x1024xf32, #tpu.memory_space<hbm>> -> memref<32x1024xf32, #tpu.memory_space<hbm>>
    %dma_wait3A_111 = arith.constant 0 : i32
    %dma_wait3A_112 = tpu.memref_slice %arg4[%add3A_84, %dma_wait3A_111] : memref<16384x1024xf32, #tpu.memory_space<hbm>> -> memref<32x1024xf32, #tpu.memory_space<hbm>>
    tpu.wait_dma2 semaphore(%arg14 : memref<!tpu.dma_semaphore, #tpu.memory_space<semaphore_mem>>) src(%arg8 : memref<32x1024xf32, #tpu.memory_space<vmem>>) dst(%dma_wait3A_112 : memref<32x1024xf32, #tpu.memory_space<hbm>>)
    %add3A_113 = arith.constant 352 : i32
    %add3A_114 = arith.addi %mul3A_2, %add3A_113 : i32
    %dma_start3A_115 = arith.constant 0 : i32
    %dma_start3A_116 = tpu.memref_slice %arg4[%add3A_114, %dma_start3A_115] : memref<16384x1024xf32, #tpu.memory_space<hbm>> -> memref<32x1024xf32, #tpu.memory_space<hbm>>
    %dma_start3A_117 = arith.constant 0 : i32
    %dma_start3A_118 = tpu.memref_slice %arg4[%add3A_114, %dma_start3A_117] : memref<16384x1024xf32, #tpu.memory_space<hbm>> -> memref<32x1024xf32, #tpu.memory_space<hbm>>
    tpu.enqueue_dma source(%arg8 : memref<32x1024xf32, #tpu.memory_space<vmem>>) target(%dma_start3A_118 : memref<32x1024xf32, #tpu.memory_space<hbm>>) target_semaphore(%arg14 : memref<!tpu.dma_semaphore, #tpu.memory_space<semaphore_mem>>)
    %dma_wait3A_119 = arith.constant 0 : i32
    %dma_wait3A_120 = tpu.memref_slice %arg4[%add3A_94, %dma_wait3A_119] : memref<16384x1024xf32, #tpu.memory_space<hbm>> -> memref<32x1024xf32, #tpu.memory_space<hbm>>
    %dma_wait3A_121 = arith.constant 0 : i32
    %dma_wait3A_122 = tpu.memref_slice %arg4[%add3A_94, %dma_wait3A_121] : memref<16384x1024xf32, #tpu.memory_space<hbm>> -> memref<32x1024xf32, #tpu.memory_space<hbm>>
    tpu.wait_dma2 semaphore(%arg12 : memref<!tpu.dma_semaphore, #tpu.memory_space<semaphore_mem>>) src(%arg6 : memref<32x1024xf32, #tpu.memory_space<vmem>>) dst(%dma_wait3A_122 : memref<32x1024xf32, #tpu.memory_space<hbm>>)
    %add3A_123 = arith.constant 384 : i32
    %add3A_124 = arith.addi %mul3A_2, %add3A_123 : i32
    %dma_start3A_125 = arith.constant 0 : i32
    %dma_start3A_126 = tpu.memref_slice %arg4[%add3A_124, %dma_start3A_125] : memref<16384x1024xf32, #tpu.memory_space<hbm>> -> memref<32x1024xf32, #tpu.memory_space<hbm>>
    %dma_start3A_127 = arith.constant 0 : i32
    %dma_start3A_128 = tpu.memref_slice %arg4[%add3A_124, %dma_start3A_127] : memref<16384x1024xf32, #tpu.memory_space<hbm>> -> memref<32x1024xf32, #tpu.memory_space<hbm>>
    tpu.enqueue_dma source(%arg6 : memref<32x1024xf32, #tpu.memory_space<vmem>>) target(%dma_start3A_128 : memref<32x1024xf32, #tpu.memory_space<hbm>>) target_semaphore(%arg12 : memref<!tpu.dma_semaphore, #tpu.memory_space<semaphore_mem>>)
    %dma_wait3A_129 = arith.constant 0 : i32
    %dma_wait3A_130 = tpu.memref_slice %arg4[%add3A_104, %dma_wait3A_129] : memref<16384x1024xf32, #tpu.memory_space<hbm>> -> memref<32x1024xf32, #tpu.memory_space<hbm>>
    %dma_wait3A_131 = arith.constant 0 : i32
    %dma_wait3A_132 = tpu.memref_slice %arg4[%add3A_104, %dma_wait3A_131] : memref<16384x1024xf32, #tpu.memory_space<hbm>> -> memref<32x1024xf32, #tpu.memory_space<hbm>>
    tpu.wait_dma2 semaphore(%arg13 : memref<!tpu.dma_semaphore, #tpu.memory_space<semaphore_mem>>) src(%arg7 : memref<32x1024xf32, #tpu.memory_space<vmem>>) dst(%dma_wait3A_132 : memref<32x1024xf32, #tpu.memory_space<hbm>>)
    %add3A_133 = arith.constant 416 : i32
    %add3A_134 = arith.addi %mul3A_2, %add3A_133 : i32
    %dma_start3A_135 = arith.constant 0 : i32
    %dma_start3A_136 = tpu.memref_slice %arg4[%add3A_134, %dma_start3A_135] : memref<16384x1024xf32, #tpu.memory_space<hbm>> -> memref<32x1024xf32, #tpu.memory_space<hbm>>
    %dma_start3A_137 = arith.constant 0 : i32
    %dma_start3A_138 = tpu.memref_slice %arg4[%add3A_134, %dma_start3A_137] : memref<16384x1024xf32, #tpu.memory_space<hbm>> -> memref<32x1024xf32, #tpu.memory_space<hbm>>
    tpu.enqueue_dma source(%arg7 : memref<32x1024xf32, #tpu.memory_space<vmem>>) target(%dma_start3A_138 : memref<32x1024xf32, #tpu.memory_space<hbm>>) target_semaphore(%arg13 : memref<!tpu.dma_semaphore, #tpu.memory_space<semaphore_mem>>)
    %dma_wait3A_139 = arith.constant 0 : i32
    %dma_wait3A_140 = tpu.memref_slice %arg4[%add3A_114, %dma_wait3A_139] : memref<16384x1024xf32, #tpu.memory_space<hbm>> -> memref<32x1024xf32, #tpu.memory_space<hbm>>
    %dma_wait3A_141 = arith.constant 0 : i32
    %dma_wait3A_142 = tpu.memref_slice %arg4[%add3A_114, %dma_wait3A_141] : memref<16384x1024xf32, #tpu.memory_space<hbm>> -> memref<32x1024xf32, #tpu.memory_space<hbm>>
    tpu.wait_dma2 semaphore(%arg14 : memref<!tpu.dma_semaphore, #tpu.memory_space<semaphore_mem>>) src(%arg8 : memref<32x1024xf32, #tpu.memory_space<vmem>>) dst(%dma_wait3A_142 : memref<32x1024xf32, #tpu.memory_space<hbm>>)
    %add3A_143 = arith.constant 448 : i32
    %add3A_144 = arith.addi %mul3A_2, %add3A_143 : i32
    %dma_start3A_145 = arith.constant 0 : i32
    %dma_start3A_146 = tpu.memref_slice %arg4[%add3A_144, %dma_start3A_145] : memref<16384x1024xf32, #tpu.memory_space<hbm>> -> memref<32x1024xf32, #tpu.memory_space<hbm>>
    %dma_start3A_147 = arith.constant 0 : i32
    %dma_start3A_148 = tpu.memref_slice %arg4[%add3A_144, %dma_start3A_147] : memref<16384x1024xf32, #tpu.memory_space<hbm>> -> memref<32x1024xf32, #tpu.memory_space<hbm>>
    tpu.enqueue_dma source(%arg8 : memref<32x1024xf32, #tpu.memory_space<vmem>>) target(%dma_start3A_148 : memref<32x1024xf32, #tpu.memory_space<hbm>>) target_semaphore(%arg14 : memref<!tpu.dma_semaphore, #tpu.memory_space<semaphore_mem>>)
    %dma_wait3A_149 = arith.constant 0 : i32
    %dma_wait3A_150 = tpu.memref_slice %arg4[%add3A_124, %dma_wait3A_149] : memref<16384x1024xf32, #tpu.memory_space<hbm>> -> memref<32x1024xf32, #tpu.memory_space<hbm>>
    %dma_wait3A_151 = arith.constant 0 : i32
    %dma_wait3A_152 = tpu.memref_slice %arg4[%add3A_124, %dma_wait3A_151] : memref<16384x1024xf32, #tpu.memory_space<hbm>> -> memref<32x1024xf32, #tpu.memory_space<hbm>>
    tpu.wait_dma2 semaphore(%arg12 : memref<!tpu.dma_semaphore, #tpu.memory_space<semaphore_mem>>) src(%arg6 : memref<32x1024xf32, #tpu.memory_space<vmem>>) dst(%dma_wait3A_152 : memref<32x1024xf32, #tpu.memory_space<hbm>>)
    %add3A_153 = arith.constant 480 : i32
    %add3A_154 = arith.addi %mul3A_2, %add3A_153 : i32
    %dma_start3A_155 = arith.constant 0 : i32
    %dma_start3A_156 = tpu.memref_slice %arg4[%add3A_154, %dma_start3A_155] : memref<16384x1024xf32, #tpu.memory_space<hbm>> -> memref<32x1024xf32, #tpu.memory_space<hbm>>
    %dma_start3A_157 = arith.constant 0 : i32
    %dma_start3A_158 = tpu.memref_slice %arg4[%add3A_154, %dma_start3A_157] : memref<16384x1024xf32, #tpu.memory_space<hbm>> -> memref<32x1024xf32, #tpu.memory_space<hbm>>
    tpu.enqueue_dma source(%arg6 : memref<32x1024xf32, #tpu.memory_space<vmem>>) target(%dma_start3A_158 : memref<32x1024xf32, #tpu.memory_space<hbm>>) target_semaphore(%arg12 : memref<!tpu.dma_semaphore, #tpu.memory_space<semaphore_mem>>)
    %dma_wait3A_159 = arith.constant 0 : i32
    %dma_wait3A_160 = tpu.memref_slice %arg4[%add3A_154, %dma_wait3A_159] : memref<16384x1024xf32, #tpu.memory_space<hbm>> -> memref<32x1024xf32, #tpu.memory_space<hbm>>
    %dma_wait3A_161 = arith.constant 0 : i32
    %dma_wait3A_162 = tpu.memref_slice %arg4[%add3A_154, %dma_wait3A_161] : memref<16384x1024xf32, #tpu.memory_space<hbm>> -> memref<32x1024xf32, #tpu.memory_space<hbm>>
    tpu.wait_dma2 semaphore(%arg12 : memref<!tpu.dma_semaphore, #tpu.memory_space<semaphore_mem>>) src(%arg6 : memref<32x1024xf32, #tpu.memory_space<vmem>>) dst(%dma_wait3A_162 : memref<32x1024xf32, #tpu.memory_space<hbm>>)
    %dma_wait3A_163 = arith.constant 0 : i32
    %dma_wait3A_164 = tpu.memref_slice %arg4[%add3A_134, %dma_wait3A_163] : memref<16384x1024xf32, #tpu.memory_space<hbm>> -> memref<32x1024xf32, #tpu.memory_space<hbm>>
    %dma_wait3A_165 = arith.constant 0 : i32
    %dma_wait3A_166 = tpu.memref_slice %arg4[%add3A_134, %dma_wait3A_165] : memref<16384x1024xf32, #tpu.memory_space<hbm>> -> memref<32x1024xf32, #tpu.memory_space<hbm>>
    tpu.wait_dma2 semaphore(%arg13 : memref<!tpu.dma_semaphore, #tpu.memory_space<semaphore_mem>>) src(%arg7 : memref<32x1024xf32, #tpu.memory_space<vmem>>) dst(%dma_wait3A_166 : memref<32x1024xf32, #tpu.memory_space<hbm>>)
    %dma_wait3A_167 = arith.constant 0 : i32
    %dma_wait3A_168 = tpu.memref_slice %arg4[%add3A_144, %dma_wait3A_167] : memref<16384x1024xf32, #tpu.memory_space<hbm>> -> memref<32x1024xf32, #tpu.memory_space<hbm>>
    %dma_wait3A_169 = arith.constant 0 : i32
    %dma_wait3A_170 = tpu.memref_slice %arg4[%add3A_144, %dma_wait3A_169] : memref<16384x1024xf32, #tpu.memory_space<hbm>> -> memref<32x1024xf32, #tpu.memory_space<hbm>>
    tpu.wait_dma2 semaphore(%arg14 : memref<!tpu.dma_semaphore, #tpu.memory_space<semaphore_mem>>) src(%arg8 : memref<32x1024xf32, #tpu.memory_space<vmem>>) dst(%dma_wait3A_170 : memref<32x1024xf32, #tpu.memory_space<hbm>>)
    return
  }
}

</mosaic_0001>

<sc_bundles>
// kernel: kernel.3.cloned.1.call-start
scs
__scs_entry_jumppad:
0x0: {  	(pc) =	sbr.rel $0x88, $3  }
0x1: {  	(tag) =	ssettag $0x0;
	lr =	simm.s32 $0x1  }
0x2: {  	[smem:$0x3F9F] =	sst lr;
	_ =	strace $0xD0000000  }
0x3: {  	_ = 	snop  }
0x4: {  	_ = 	snop  }
0x5: {  	_ = 	snop  }
0x6: {  	_ = 	snop  }
0x7: {  	_ = 	snop  }
__scs_overlays_trampoline_lowered:
0x8: {  	[smem:$0x3FAE] =	sst s0  }
0x9: {  	[smem:$0x3FAF] =	sst s1  }
0xa: {  	[smem:$0x3FB0] =	sst s2  }
0xb: {  	[smem:$0x3FB1] =	sst s3  }
0xc: {  	[smem:$0x3FB2] =	sst s4  }
0xd: {  	[smem:$0x3FB3] =	sst s5  }
0xe: {  	[smem:$0x3FB4] =	sst s6  }
0xf: {  	[smem:$0x3FB5] =	sst s7  }
0x10: {  	[smem:$0x3FB6] =	sst s8  }
0x11: {  	[smem:$0x3FB7] =	sst s9;
	s0 =	simm.s32 @!p0 $0x0  }
0x12: {  	s1 =	sld [smem:$0x3F9D];
	s0 =	simm.s32 @p0 $0x1  }
0x13: {  	[smem:$0x3FB8] =	sst s0;
	s0 =	simm.s32 @!p1 $0x0  }
0x14: {  	s2 =	sld [smem:$0x3F9C];
	s0 =	simm.s32 @p1 $0x1  }
0x15: {  	[smem:$0x3FB9] =	sst s0;
	s0 =	simm.s32 @!p2 $0x0  }
0x16: {  	s3 =	sld [smem:$0x3FDB];
	s0 =	simm.s32 @p2 $0x1  }
0x17: {  	s4 =	simm.s32 $0x1BF5;
	[smem:$0x3FBB] =	sst s0  }
0x18: {  	s0 =	sld [smem:$0x3F9E];
	_ =	swait.ge [sflag:s4], $0x0  }
0x19: {  	s7 =	sld [smem:$0x3F9F]  }
0x1a: {  	s8 =	sadd.s32 $0xFFFFE003, lr  }
0x1b: {  	s9 =	sadd.s32 $0xFFFFFEF7, lr;
	s5 =	simm.s32 $0xFFFFFFFF;
	p2 =	slt.u32 s8, $0xFFFFF086  }
0x1c: {  	p1 =	slt.u32 s9, $0xF7A;
	s5 =	simm.s32 @!p2 $0x0  }
0x1d: {  	s5 =	simm.s32 @p1 $0x1;
	p0 =	seq.s32 s7, s2  }
0x1e: {  	s7 =	smul.u32 @!p0 $0xF7A, s2;
	p2 =	seq.s32 @!p0 s5, $0x0  }
0x1f: {  	s9 =	smul.u32 $0xF7A, s1;
	s8 =	simm.s32 @!p0 $0x1BF5;
	p2 =	por !p2, p0  }
0x20: {  	[sflag:s8] =	ssyncset.s32 @!p0 $0xFFFFF086;
	s6 =	sadd.s32 @!p0 s3, s7;
	s7 =	simm.s32 @!p0 $0x108  }
0x21: {  	s3 =	sadd.s32 s3, s9;
	s6 =	sadd.s32 @!p0 $0x88, s6;
	s7 =	simm.s32 @p2 $0x1082  }
0x22: {  	[simem:s7], [sflag:s8] =	dma.local @!p0 [hbm:s6], $0xF7A  }
0x23: {  	s9 =	sor.u32 $0xD0000000, s2;
	s6 =	simm.s32 $0x108;
	_ =	swait.ge @!p0 [sflag:s8], $0x0  }
0x24: {  	s3 =	sadd.s32 $0x88, s3;
	s6 =	simm.s32 @!p1 $0x1082;
	[sflag:s4] =	ssyncset.s32 $0xFFFFF086  }
0x25: {  	[simem:s6], [sflag:s4] =	dma.local [hbm:s3], $0xF7A  }
0x26: {  	[smem:$0x3F9F] =	sst s1;
	(tag) =	ssettag s2;
	_ =	strace s9  }
0x27: {  	s1 =	sld [smem:$0x3FAF]  }
0x28: {  	s2 =	sld [smem:$0x3FB0]  }
0x29: {  	s4 =	sld [smem:$0x3FB2]  }
0x2a: {  	p0 =	seq.s32 s5, $0x0;
	s5 =	sld [smem:$0x3FB3]  }
0x2b: {  	s6 =	sld [smem:$0x3FB4]  }
0x2c: {  	s7 =	sld [smem:$0x3FB5]  }
0x2d: {  	s3 =	simm.s32 $0x108;
	s8 =	sld [smem:$0x3FB6]  }
0x2e: {  	s3 =	simm.s32 @!p0 $0x1082;
	s9 =	sld [smem:$0x3FB7]  }
0x2f: {  	lr =	sadd.s32 s0, s3;
	s0 =	sld [smem:$0x3FAE]  }
0x30: {  	s3 =	sld [smem:$0x3FB1]  }
0x31: {  	[smem:$0x3FBA] =	sst s10  }
0x32: {  	s10 =	sld [smem:$0x3FB8];
	_ =	sdelay $0x3  }
0x33: {  	p0 =	seq.s32 s10, $0x1;
	s10 =	sld [smem:$0x3FBA];
	_ =	sdelay $0x3  }
0x34: {  	[smem:$0x3FBA] =	sst s10  }
0x35: {  	s10 =	sld [smem:$0x3FB9];
	_ =	sdelay $0x3  }
0x36: {  	p1 =	seq.s32 s10, $0x1;
	s10 =	sld [smem:$0x3FBA];
	_ =	sdelay $0x3  }
0x37: {  	[smem:$0x3FBA] =	sst s10  }
0x38: {  	s10 =	sld [smem:$0x3FBB]  }
0x39: {  	_ = 	snop;
	(pc) =	sbr.ind lr, $3  }
0x3a: {  	_ = 	snop  }
0x3b: {  	_ = 	snop  }
0x3c: {  	p2 =	seq.s32 s10, $0x1;
	s10 =	sld [smem:$0x3FBA]  }
0x3d: {  	_ =	shalt  }
0x3e: {  	_ =	shalt  }
0x3f: {  	_ =	shalt  }
0x40: {  	_ =	shalt  }
0x41: {  	_ =	shalt  }
0x42: {  	_ =	shalt  }
0x43: {  	_ =	shalt  }
0x44: {  	_ =	shalt  }
0x45: {  	_ =	shalt  }
0x46: {  	_ =	shalt  }
0x47: {  	_ =	shalt  }
0x48: {  	_ =	shalt  }
0x49: {  	_ =	shalt  }
0x4a: {  	_ =	shalt  }
0x4b: {  	_ =	shalt  }
0x4c: {  	_ =	shalt  }
0x4d: {  	_ =	shalt  }
0x4e: {  	_ =	shalt  }
0x4f: {  	_ =	shalt  }
0x50: {  	_ =	shalt  }
0x51: {  	_ =	shalt  }
0x52: {  	_ =	shalt  }
0x53: {  	_ =	shalt  }
0x54: {  	_ =	shalt  }
0x55: {  	_ =	shalt  }
0x56: {  	_ =	shalt  }
0x57: {  	_ =	shalt  }
0x58: {  	_ =	shalt  }
0x59: {  	_ =	shalt  }
0x5a: {  	_ =	shalt  }
0x5b: {  	_ =	shalt  }
0x5c: {  	_ =	shalt  }
0x5d: {  	_ =	shalt  }
0x5e: {  	_ =	shalt  }
0x5f: {  	_ =	shalt  }
0x60: {  	_ =	shalt  }
0x61: {  	_ =	shalt  }
0x62: {  	_ =	shalt  }
0x63: {  	_ =	shalt  }
0x64: {  	_ =	shalt  }
0x65: {  	_ =	shalt  }
0x66: {  	_ =	shalt  }
0x67: {  	_ =	shalt  }
0x68: {  	_ =	shalt  }
0x69: {  	_ =	shalt  }
0x6a: {  	_ =	shalt  }
0x6b: {  	_ =	shalt  }
0x6c: {  	_ =	shalt  }
0x6d: {  	_ =	shalt  }
0x6e: {  	_ =	shalt  }
0x6f: {  	_ =	shalt  }
0x70: {  	_ =	shalt  }
0x71: {  	_ =	shalt  }
0x72: {  	_ =	shalt  }
0x73: {  	_ =	shalt  }
0x74: {  	_ =	shalt  }
0x75: {  	_ =	shalt  }
0x76: {  	_ =	shalt  }
0x77: {  	_ =	shalt  }
0x78: {  	_ =	shalt  }
0x79: {  	_ =	shalt  }
0x7a: {  	_ =	shalt  }
0x7b: {  	_ =	shalt  }
0x7c: {  	_ =	shalt  }
0x7d: {  	_ =	shalt  }
0x7e: {  	_ =	shalt  }
0x7f: {  	_ =	shalt  }
0x80: {  	_ =	shalt  }
0x81: {  	_ =	shalt  }
0x82: {  	_ =	shalt  }
0x83: {  	_ =	shalt  }
0x84: {  	_ =	shalt  }
0x85: {  	_ =	shalt  }
0x86: {  	_ =	shalt  }
0x87: {  	_ =	shalt  }
.Lfunc_end0:
.L_simem_size_0:
called_computation_lowered:
.L_overlay_start_0:
0x88: {  	s2 =	sld [smem:$0x3FD9]  }
0x89: {  	s3 =	sld [smem:$0x3FFE];
	_ =	sdelay $0x1  }
0x8a: {  	s1 =	srdreg.scid  }
0x8b: {  	s0 =	sand.u32 $0x1, s1  }
0x8c: {  	s17 =	sshll.u32 s0, $0xA;
	s2 =	sadd.s32 s3, s2  }
0x8d: {  	s2 =	sadd.s32 s2, s17  }
0x8e: {  	[smem:$0x3FC6] =	sst s2  }
0x8f: {  	_ = 	snop  }
0x90: {  	s2 =	sld [smem:$0x3FC8]  }
0x91: {  	s18 =	sld [smem:$0x3FD0];
	(tm) =	ssettm $0x1  }
0x92: {  	s4 =	sld [smem:$0x3FFB];
	_ =	sdelay $0x3  }
0x93: {  	_ =	strace s4  }
0x94: {  	s4 =	sld [smem:$0x3FFC];
	_ =	sdelay $0x3  }
0x95: {  	_ =	strace s4  }
0x96: {  	s4 =	sld [smem:$0x3FFD];
	_ =	sdelay $0x3  }
0x97: {  	_ =	strace s4  }
0x98: {  	_ =	strace $0x8FFFFFFF  }
0x99: {  	s19 =	sld [smem:$0x3FDB];
	_ =	sdelay $0x1  }
0x9a: {  	s5 =	simm.s32 $_scs_section_size  }
0x9b: {  	s6 =	simm.s32 $_size__tile_overlayer_lowered;
	s7 =	simm.s32 $_tile_overlayer_lowered  }
0x9c: {  	s22 =	simm.s32 $0x1BFF;
	s21 =	sshll.u32 s7, $0x1;
	s4 =	sadd.s32 s5, s19  }
0x9d: {  	s8 =	simm.s32 $0x0;
	s20 =	sshll.u32 s6, $0x1;
	s6 =	sadd.s32 s21, s4  }
0x9e: {  	[timem:s8], [sflag:s22] =	dma.local [hbm:s6], s20  }
0x9f: {  	_ =	swait.ge [sflag:s22], s20  }
0xa0: {  	s5 =	ssub.s32 $0x0, s20;
	[sflag:s22] =	ssyncset.done $0x0  }
0xa1: {  	[sflag:s22] =	ssyncadd.s32 s5;
	_ =	sdelay $0x1  }
0xa2: {  	s23 =	simm.s32 $0x1B8B  }
0xa3: {  	_ =	swait.ge [sflag:s23], $0x1  }
0xa4: {  	[sflag:s23] =	ssyncset.done $0x0  }
0xa5: {  	s25 =	simm.s32 $0x1B8E;
	s24 =	sld [smem:$0x3FFE];
	[sflag:s23] =	ssyncadd.s32 $0xFFFFFFFF  }
0xa6: {  	s26 =	simm.s32 $execute0_lowered;
	[smem:$0x3FD2] =	sst s25  }
0xa7: {  	s6 =	sshll.u32 s26, $0x1;
	_ =	strace $0x80000046;
	[dreg:$0x1] =	wrdreg $0xFFFFFFFF  }
0xa8: {  	s28 =	simm.s32 $_size_execute0_lowered;
	s4 =	sadd.s32 s4, s6;
	[dreg:$0x0] =	wrdreg $0x0  }
0xa9: {  	s6 =	sshll.u32 s28, $0x1;
	[dreg:$0x2] =	wrdreg s4  }
0xaa: {  	[dreg:$0x3] =	wrdreg s6  }
0xab: {  	[dreg:$0x4] =	wrdreg $0xC0  }
0xac: {  	_ =	task [dreg:s8], $0x5FFFF  }
0xad: {  	[dreg:$0x1] =	wrdreg $0xFFFFFFFF  }
0xae: {  	[dreg:$0x0] =	wrdreg $0x60  }
0xaf: {  	[dreg:$0x2] =	wrdreg s24  }
0xb0: {  	[dreg:$0x3] =	wrdreg s2  }
0xb1: {  	[dreg:$0x4] =	wrdreg s18  }
0xb2: {  	[dreg:$0x5] =	wrdreg $0x9  }
0xb3: {  	_ =	task.clear_ibuf [dreg:s8], $0x6FFFF;
	_ =	strace $0x90000046  }
0xb4: {  	s29 =	simm.s32 $0x9;
	_ =	strace $0x80000048  }
0xb5: {  	_ =	swait.ge [sflag:s29], $0x1  }
0xb6: {  	[sflag:s29] =	ssyncadd.s32 $0xFFFFFFFF  }
0xb7: {  	_ =	strace $0x90000048  }
0xb8: {  	_ =	sfence  }
0xb9: {  	s30 =	sld [smem:$0x0];
	_ =	sdelay $0x2  }
0xba: {  	s31 =	sshll.u32 s1, $0xD;
	s1 =	sshrl.u32 s1, $0x2  }
0xbb: {  	s3 =	sand.u32 $0x4000, s31;
	s1 =	sadd.s32 s1, s30  }
0xbc: {  	s0 =	sor.u32 s3, s0;
	s1 =	sshll.u32 s1, $0x11  }
0xbd: {  	s0 =	sor.u32 s1, s0  }
0xbe: {  	s0 =	sadd.s32 $0x8F2B, s0  }
0xbf: {  	[sflag:s0] =	ssyncadd.remote.s32 $0x1  }
0xc0: {  	_ =	sfence.sel $0xFFFF  }
0xc1: {  	[dreg:$0x0] =	wrdreg $0xFFFFFFFF;
	(pc) =	sbr.abs _section_cstart, $3  }
0xc2: {  	[dreg:$0x1] =	wrdreg $0xFFFFFFFF  }
0xc3: {  	_ =	task.clear_ibuf [dreg:s8], $0x2FFFF;
	_ =	strace $0x9FFFFFFF  }
0xc4: {  	(tm) =	ssettm $0x7FFFFFFF  }
0xc5: {  	_ =	shalt  }
tec
execute0_lowered:
.L_overlay_start_1:
0x0: {  	(tag) =	ssettag $0x1  }
0x1: {  	s1 =	srdreg.scid  }
0x2: {  	s0 =	stileid.u32;
	s1 =	sand.u32 $0x1, s1  }
0x3: {  	s4 =	rddreg [dreg:$0x0];
	s3 =	sshll.u32 s0, $0xA;
	s5 =	sshll.u32 s1, $0x9  }
0x4: {  	s2 =	rddreg [dreg:$0x1];
	s5 =	sor.u32 s5, s3  }
0x5: {  	s6 =	rddreg [dreg:$0x2];
	s7 =	sshrl.u32 s5, $0x3  }
0x6: {  	s3 =	simm.s32 $0x0;
	s5 =	sshll.u32 s5, $0x7;
	s4 =	sadd.s32 s7, s4  }
0x7: {  	[smem:$0x7FF] =	sst s3;
	s7 =	sadd.s32 $0x400, s4;
	s4 =	sadd.s32 s6, s5  }
0x8: {  	_ =	strace $0x80000047;
	[dreg:$0x4] =	wrdreg s7;
	s5 =	sadd.s32 $0x1000, s4  }
0x9: {  	s13 =	sadd.s32 $0x2000, s4;
	[dreg:$0x5] =	wrdreg s5  }
0xa: {  	s14 =	sadd.s32 $0x3000, s4;
	[dreg:$0x6] =	wrdreg s13  }
0xb: {  	s9 =	simm.s32 $0x5;
	s15 =	sadd.s32 $0x4000, s4;
	[dreg:$0x7] =	wrdreg s14  }
0xc: {  	s10 =	simm.s32 $0x200;
	s16 =	sadd.s32 $0x5000, s4;
	[dreg:$0x8] =	wrdreg s15  }
0xd: {  	s12 =	simm.s32 $0x1200;
	s17 =	sadd.s32 $0x6000, s4;
	[dreg:$0x9] =	wrdreg s16  }
0xe: {  	s28 =	simm.s32 $0x8200;
	s18 =	sadd.s32 $0x7000, s4;
	[dreg:$0xa] =	wrdreg s17  }
0xf: {  	s29 =	simm.s32 $0x10200;
	s19 =	sadd.s32 $0x8000, s4;
	[dreg:$0xb] =	wrdreg s18  }
0x10: {  	s30 =	simm.s32 $0x2;
	s20 =	sadd.s32 $0x9000, s4;
	[dreg:$0xc] =	wrdreg s19  }
0x11: {  	s31 =	simm.s32 $0x3;
	s21 =	sadd.s32 $0xA000, s4;
	[dreg:$0xd] =	wrdreg s20  }
0x12: {  	s1 =	ssub.s32 $0x2, s1;
	s22 =	sadd.s32 $0xB000, s4;
	[dreg:$0xe] =	wrdreg s21  }
0x13: {  	s24 =	sshrl.u32 s1, $0x1;
	s23 =	sadd.s32 $0xC000, s4;
	[dreg:$0xf] =	wrdreg s22  }
0x14: {  	s1 =	ssub.s32 s1, s24;
	s25 =	sadd.s32 $0xD000, s4;
	[dreg:$0x10] =	wrdreg s23  }
0x15: {  	s24 =	simm.s32 $0x7200;
	s26 =	sadd.s32 $0xE000, s4;
	[dreg:$0x11] =	wrdreg s25  }
0x16: {  	s6 =	sadd.s32 $0x200, s2;
	s8 =	sadd.s32 $0xF000, s4;
	[dreg:$0x12] =	wrdreg s26  }
0x17: {  	s7 =	sadd.s32 $0x300, s2;
	s5 =	sadd.s32 $0x100, s2;
	[dreg:$0x13] =	wrdreg s8  }
0x18: {  	s8 =	smax.u32 s1, $0x1;
	s13 =	simm.s32 $0x1A00;
	s14 =	simm.s32 $0x2200  }
0x19: {  	s15 =	simm.s32 $0x2A00;
	s16 =	simm.s32 $0x3200;
	s17 =	simm.s32 $0x3A00  }
0x1a: {  	v2 =	vlaneseq.u32;
	s18 =	simm.s32 $0x4200;
	s19 =	simm.s32 $0x4A00;
	s20 =	simm.s32 $0x5200  }
0x1b: {  	vm0 =	vmmov $0xffff;
	v1 =	vshrl.u32 v2, $0x3;
	s21 =	simm.s32 $0x5A00;
	s22 =	simm.s32 $0x6200;
	s23 =	simm.s32 $0x6A00  }
0x1c: {  	v0 =	vand.u32 $0x7, v2;
	v2 =	vor.u32 $0x8, v2;
	v1 =	vmul.u32 $0x8, v1;
	s25 =	simm.s32 $0x7A00;
	s26 =	simm.s32 $0x1;
	s1 =	simm.s32 $0x4  }
.LBB2_1:
0x1d: {  	s0 =	rddreg [dreg:$0x4]  }
0x1e: {  	[tilespmem:s3], [sflag:$0x5] =	stream.linear.gather [hbm4b:s0+s3], $0x200, $0x38;
	[tilespmem:$0x18200] =	vst v63  }
0x1f: {  	_ =	swait.ge [sflag:s9], $0x200  }
0x20: {  	[sflag:s9] =	ssyncset.done $0x0  }
0x21: {  	[sflag:s9] =	ssyncadd.s32 $0xFFFFFE00  }
0x22: {  	v3 =	vld [tilespmem:$0x0];
	_ =	sdelay $0x4  }
0x23: {  	v4 =	vshll.u32 v3, $0x3  }
0x24: {  	v3 =	vand.u32 $0x7, v3;
	v4 =	vand.u32 $0xFFFFFFC0, v4  }
0x25: {  	v3 =	vor.u32 v3, v4  }
0x26: {  	v4 =	vperm.xlane v3, v0;
	_ =	sdelay $0x1  }
0x27: {  	v4 =	vadd.s32 v1, v4;
	_ =	sdelay $0x4  }
0x28: {  	[tilespmem:s10], [sflag:$0x1] =	stream.indirect_vreg.gather [hbm4b:s2+s3], $0x80, v4, vm0, $0xb8;
	[tilespmem:$0x18200] =	vst v63  }
0x29: {  	s11 =	simm.s32 $0xA00;
	v3 =	vperm.xlane v3, v2  }
0x2a: {  	[tilespmem:s11], [sflag:$0x1] =	stream.indirect_vreg.gather [hbm4b:s5+s3], $0x80, v4, vm0, $0xb8;
	[tilespmem:$0x18200] =	vst v63  }
0x2b: {  	v3 =	vadd.s32 v1, v3  }
0x2c: {  	[tilespmem:s12], [sflag:$0x1] =	stream.indirect_vreg.gather [hbm4b:s6+s3], $0x80, v4, vm0, $0xb8;
	[tilespmem:$0x18200] =	vst v63  }
0x2d: {  	_ = 	snop  }
0x2e: {  	[tilespmem:s13], [sflag:$0x1] =	stream.indirect_vreg.gather [hbm4b:s7+s3], $0x80, v4, vm0, $0xb8;
	[tilespmem:$0x18200] =	vst v63  }
0x2f: {  	_ = 	snop  }
0x30: {  	[tilespmem:s14], [sflag:$0x1] =	stream.indirect_vreg.gather [hbm4b:s2+s3], $0x80, v3, vm0, $0xb8;
	[tilespmem:$0x18200] =	vst v63  }
0x31: {  	_ = 	snop  }
0x32: {  	[tilespmem:s15], [sflag:$0x1] =	stream.indirect_vreg.gather [hbm4b:s5+s3], $0x80, v3, vm0, $0xb8;
	[tilespmem:$0x18200] =	vst v63  }
0x33: {  	_ = 	snop  }
0x34: {  	[tilespmem:s16], [sflag:$0x1] =	stream.indirect_vreg.gather [hbm4b:s6+s3], $0x80, v3, vm0, $0xb8;
	[tilespmem:$0x18200] =	vst v63  }
0x35: {  	_ = 	snop  }
0x36: {  	[tilespmem:s17], [sflag:$0x1] =	stream.indirect_vreg.gather [hbm4b:s7+s3], $0x80, v3, vm0, $0xb8;
	[tilespmem:$0x18200] =	vst v63  }
0x37: {  	v3 =	vld [tilespmem:$0x10];
	_ =	sdelay $0x4  }
0x38: {  	v63 =	vshll.u32 v3, $0x3  }
0x39: {  	v3 =	vand.u32 $0x7, v3;
	v4 =	vand.u32 $0xFFFFFFC0, v63  }
0x3a: {  	v3 =	vor.u32 v3, v4  }
0x3b: {  	v4 =	vperm.xlane v3, v0;
	_ =	sdelay $0x1  }
0x3c: {  	v4 =	vadd.s32 v1, v4;
	_ =	sdelay $0x4  }
0x3d: {  	[tilespmem:s18], [sflag:$0x1] =	stream.indirect_vreg.gather [hbm4b:s2+s3], $0x80, v4, vm0, $0xb8;
	[tilespmem:$0x18200] =	vst v63  }
0x3e: {  	v3 =	vperm.xlane v3, v2  }
0x3f: {  	[tilespmem:s19], [sflag:$0x1] =	stream.indirect_vreg.gather [hbm4b:s5+s3], $0x80, v4, vm0, $0xb8;
	[tilespmem:$0x18200] =	vst v63  }
0x40: {  	v3 =	vadd.s32 v1, v3  }
0x41: {  	[tilespmem:s20], [sflag:$0x1] =	stream.indirect_vreg.gather [hbm4b:s6+s3], $0x80, v4, vm0, $0xb8;
	[tilespmem:$0x18200] =	vst v63  }
0x42: {  	_ = 	snop  }
0x43: {  	[tilespmem:s21], [sflag:$0x1] =	stream.indirect_vreg.gather [hbm4b:s7+s3], $0x80, v4, vm0, $0xb8;
	[tilespmem:$0x18200] =	vst v63  }
0x44: {  	_ = 	snop  }
0x45: {  	[tilespmem:s22], [sflag:$0x1] =	stream.indirect_vreg.gather [hbm4b:s2+s3], $0x80, v3, vm0, $0xb8;
	[tilespmem:$0x18200] =	vst v63  }
0x46: {  	_ = 	snop  }
0x47: {  	[tilespmem:s23], [sflag:$0x1] =	stream.indirect_vreg.gather [hbm4b:s5+s3], $0x80, v3, vm0, $0xb8;
	[tilespmem:$0x18200] =	vst v63  }
0x48: {  	_ = 	snop  }
0x49: {  	[tilespmem:s24], [sflag:$0x1] =	stream.indirect_vreg.gather [hbm4b:s6+s3], $0x80, v3, vm0, $0xb8;
	[tilespmem:$0x18200] =	vst v63  }
0x4a: {  	_ = 	snop  }
0x4b: {  	[tilespmem:s25], [sflag:$0x1] =	stream.indirect_vreg.gather [hbm4b:s7+s3], $0x80, v3, vm0, $0xb8;
	[tilespmem:$0x18200] =	vst v63  }
0x4c: {  	_ =	swait.ge [sflag:s26], $0x8000  }
0x4d: {  	[sflag:s26] =	ssyncset.done $0x0  }
0x4e: {  	[sflag:s26] =	ssyncadd.s32 $0xFFFF8000  }
0x4f: {  	[hbm4b:s4+s3] =	stream.linear.scatter [tilespmem:s10], [sflag:$0x2], $0x8000, $0x38;
	[tilespmem:$0x18200] =	vst v63  }
0x50: {  	s0 =	rddreg [dreg:$0x5]  }
0x51: {  	[hbm4b:s0+s3] =	stream.linear.scatter [tilespmem:s28], [sflag:$0x3], $0x8000, $0x38;
	[tilespmem:$0x18200] =	vst v63  }
0x52: {  	s11 =	rddreg [dreg:$0x6]  }
0x53: {  	[hbm4b:s11+s3] =	stream.linear.scatter [tilespmem:s29], [sflag:$0x4], $0x8000, $0x38;
	[tilespmem:$0x18200] =	vst v63  }
0x54: {  	_ =	swait.ge [sflag:s30], $0x8000  }
0x55: {  	[sflag:s30] =	ssyncset.done $0x0  }
0x56: {  	s11 =	rddreg [dreg:$0x7];
	[sflag:s30] =	ssyncadd.s32 $0xFFFF8000  }
0x57: {  	[hbm4b:s11+s3] =	stream.linear.scatter [tilespmem:s10], [sflag:$0x2], $0x8000, $0x38;
	[tilespmem:$0x18200] =	vst v63  }
0x58: {  	_ =	swait.ge [sflag:s31], $0x8000  }
0x59: {  	[sflag:s31] =	ssyncset.done $0x0  }
0x5a: {  	s11 =	rddreg [dreg:$0x8];
	[sflag:s31] =	ssyncadd.s32 $0xFFFF8000  }
0x5b: {  	[hbm4b:s11+s3] =	stream.linear.scatter [tilespmem:s28], [sflag:$0x3], $0x8000, $0x38;
	[tilespmem:$0x18200] =	vst v63  }
0x5c: {  	_ =	swait.ge [sflag:s1], $0x8000  }
0x5d: {  	[sflag:s1] =	ssyncset.done $0x0  }
0x5e: {  	s11 =	rddreg [dreg:$0x9];
	[sflag:s1] =	ssyncadd.s32 $0xFFFF8000  }
0x5f: {  	[hbm4b:s11+s3] =	stream.linear.scatter [tilespmem:s29], [sflag:$0x4], $0x8000, $0x38;
	[tilespmem:$0x18200] =	vst v63  }
0x60: {  	_ =	swait.ge [sflag:s30], $0x8000  }
0x61: {  	[sflag:s30] =	ssyncset.done $0x0  }
0x62: {  	s11 =	rddreg [dreg:$0xa];
	[sflag:s30] =	ssyncadd.s32 $0xFFFF8000  }
0x63: {  	[hbm4b:s11+s3] =	stream.linear.scatter [tilespmem:s10], [sflag:$0x2], $0x8000, $0x38;
	[tilespmem:$0x18200] =	vst v63  }
0x64: {  	_ =	swait.ge [sflag:s31], $0x8000  }
0x65: {  	[sflag:s31] =	ssyncset.done $0x0  }
0x66: {  	s11 =	rddreg [dreg:$0xb];
	[sflag:s31] =	ssyncadd.s32 $0xFFFF8000  }
0x67: {  	[hbm4b:s11+s3] =	stream.linear.scatter [tilespmem:s28], [sflag:$0x3], $0x8000, $0x38;
	[tilespmem:$0x18200] =	vst v63  }
0x68: {  	_ =	swait.ge [sflag:s1], $0x8000  }
0x69: {  	[sflag:s1] =	ssyncset.done $0x0  }
0x6a: {  	s11 =	rddreg [dreg:$0xc];
	[sflag:s1] =	ssyncadd.s32 $0xFFFF8000  }
0x6b: {  	[hbm4b:s11+s3] =	stream.linear.scatter [tilespmem:s29], [sflag:$0x4], $0x8000, $0x38;
	[tilespmem:$0x18200] =	vst v63  }
0x6c: {  	_ =	swait.ge [sflag:s30], $0x8000  }
0x6d: {  	[sflag:s30] =	ssyncset.done $0x0  }
0x6e: {  	s11 =	rddreg [dreg:$0xd];
	[sflag:s30] =	ssyncadd.s32 $0xFFFF8000  }
0x6f: {  	[hbm4b:s11+s3] =	stream.linear.scatter [tilespmem:s10], [sflag:$0x2], $0x8000, $0x38;
	[tilespmem:$0x18200] =	vst v63  }
0x70: {  	_ =	swait.ge [sflag:s31], $0x8000  }
0x71: {  	[sflag:s31] =	ssyncset.done $0x0  }
0x72: {  	s11 =	rddreg [dreg:$0xe];
	[sflag:s31] =	ssyncadd.s32 $0xFFFF8000  }
0x73: {  	[hbm4b:s11+s3] =	stream.linear.scatter [tilespmem:s28], [sflag:$0x3], $0x8000, $0x38;
	[tilespmem:$0x18200] =	vst v63  }
0x74: {  	_ =	swait.ge [sflag:s1], $0x8000  }
0x75: {  	[sflag:s1] =	ssyncset.done $0x0  }
0x76: {  	s11 =	rddreg [dreg:$0xf];
	[sflag:s1] =	ssyncadd.s32 $0xFFFF8000  }
0x77: {  	[hbm4b:s11+s3] =	stream.linear.scatter [tilespmem:s29], [sflag:$0x4], $0x8000, $0x38;
	[tilespmem:$0x18200] =	vst v63  }
0x78: {  	_ =	swait.ge [sflag:s30], $0x8000  }
0x79: {  	[sflag:s30] =	ssyncset.done $0x0  }
0x7a: {  	s11 =	rddreg [dreg:$0x10];
	[sflag:s30] =	ssyncadd.s32 $0xFFFF8000  }
0x7b: {  	[hbm4b:s11+s3] =	stream.linear.scatter [tilespmem:s10], [sflag:$0x2], $0x8000, $0x38;
	[tilespmem:$0x18200] =	vst v63  }
0x7c: {  	_ =	swait.ge [sflag:s31], $0x8000  }
0x7d: {  	[sflag:s31] =	ssyncset.done $0x0  }
0x7e: {  	s11 =	rddreg [dreg:$0x11];
	[sflag:s31] =	ssyncadd.s32 $0xFFFF8000  }
0x7f: {  	[hbm4b:s11+s3] =	stream.linear.scatter [tilespmem:s28], [sflag:$0x3], $0x8000, $0x38;
	[tilespmem:$0x18200] =	vst v63  }
0x80: {  	_ =	swait.ge [sflag:s1], $0x8000  }
0x81: {  	[sflag:s1] =	ssyncset.done $0x0  }
0x82: {  	s11 =	rddreg [dreg:$0x12];
	[sflag:s1] =	ssyncadd.s32 $0xFFFF8000  }
0x83: {  	[hbm4b:s11+s3] =	stream.linear.scatter [tilespmem:s29], [sflag:$0x4], $0x8000, $0x38;
	[tilespmem:$0x18200] =	vst v63  }
0x84: {  	_ =	swait.ge [sflag:s30], $0x8000  }
0x85: {  	[sflag:s30] =	ssyncset.done $0x0  }
0x86: {  	s11 =	rddreg [dreg:$0x13];
	[sflag:s30] =	ssyncadd.s32 $0xFFFF8000  }
0x87: {  	[hbm4b:s11+s3] =	stream.linear.scatter [tilespmem:s10], [sflag:$0x2], $0x8000, $0x38;
	[tilespmem:$0x18200] =	vst v63  }
0x88: {  	_ =	swait.ge [sflag:s30], $0x8000  }
0x89: {  	[sflag:s30] =	ssyncset.done $0x0  }
0x8a: {  	[sflag:s30] =	ssyncadd.s32 $0xFFFF8000  }
0x8b: {  	p0 =	sne.s32 s8, $0x1;
	_ =	swait.ge [sflag:s31], $0x8000  }
.Ltmp0:
0x8c: {  	[sflag:s31] =	ssyncset.done $0x0;
	(pc) =	sbr.rel @p0 .LBB2_1-.Ltmp0, $4  }
0x8d: {  	[sflag:s31] =	ssyncadd.s32 $0xFFFF8000  }
0x8e: {  	_ =	swait.ge [sflag:s1], $0x8000  }
0x8f: {  	[sflag:s1] =	ssyncset.done $0x0  }
0x90: {  	s8 =	sadd.s32 $0xFFFFFFFF, s8;
	[sflag:s1] =	ssyncadd.s32 $0xFFFF8000  }
0x91: {  	_ =	sfence.sel $0x180000  }
0x92: {  	[bflag:$0x0] =	sbarrier.arrive $0xFFFF  }
0x93: {  	_ =	strace $0x90000047  }
0x94: {  	s0 =	stileid.u32;
	[bflag:$0x2] =	sbarrier.arrive $0xFFFF  }
0x95: {  	p0 =	sne.s32 s0, $0x0;
	s0 =	rddreg [dreg:$0x3]  }
0x96: {  	s0 =	sadd.s32 @!p0 $0x100000, s0  }
0x97: {  	[sflag:s0] =	ssyncadd.tile.s32 @!p0 $0x1;
	_ =	shalt  }
.Lfunc_end2:
_tile_overlayer_lowered:
.L_overlay_start_2:
0x98: {  	(tag) =	ssettag $0x2  }
0x99: {  	s0 =	rddreg [dreg:$0x0];
	s2 =	stileid.u32  }
0x9a: {  	s1 =	rddreg [dreg:$0x1];
	p0 =	sne.s32 s2, $0x0  }
0x9b: {  	s3 =	rddreg [dreg:$0x2];
	[bflag:$0x3] =	sbarrier.arrive $0xFFFF;
	s2 =	simm.s32 @!p0 $0x1C05  }
0x9c: {  	[timem:s3], [sflag:s2] =	dma.local @!p0 [hbm:s0], s1  }
0x9d: {  	s0 =	simm.s32 @!p0 $0x5  }
0x9e: {  	_ =	swait.ge @!p0 [sflag:s0], s1  }
0x9f: {  	s1 =	ssub.s32 @!p0 $0x0, s1;
	[sflag:s0] =	ssyncset.done @!p0 $0x0  }
0xa0: {  	[sflag:s0] =	ssyncadd.s32 @!p0 s1  }
0xa1: {  	[bflag:$0x3] =	sbarrier.arrive $0xFFFF  }
0xa2: {  	_ =	shalt  }

</sc_bundles>
